<compile_context>
chip_gen: v7x
topology: tpu7x:2x2x1
jax: 0.10.2.dev20260603
libtpu: 0.0.44.dev20260713+nightly
codegen_flags: <defaults>
</compile_context>

<pallas_src>
import functools

import jax
import jax.numpy as jnp
from jax import lax
from jax.experimental import pallas as pl
from jax.experimental.pallas import tpu as pltpu
from jax.experimental.pallas import tpu_sc as plsc

B = 16384
F = 26
V = 100000
D = 16
DENSE_IN = 13
H = 400

NW = 32
NCH = 16
CB = B // NCH
NTASK = F * NCH
PER_W = NTASK // NW
VPAD = 100096


def _sc_gather(fm_tab, first_tab, idx):
    mesh = plsc.VectorSubcoreMesh(core_axis_name="c", subcore_axis_name="s")

    @functools.partial(
        pl.kernel,
        out_type=[
            jax.ShapeDtypeStruct((B, F * D), jnp.float32),
            jax.ShapeDtypeStruct((F, B), jnp.float32),
        ],
        mesh=mesh,
        scratch_types=[
            pltpu.VMEM((CB,), jnp.int32),
            pltpu.VMEM((CB, D), jnp.float32),
            pltpu.VMEM((CB,), jnp.float32),
            pltpu.SemaphoreType.DMA,
            pltpu.SemaphoreType.DMA,
        ],
        compiler_params=pltpu.CompilerParams(use_tc_tiling_on_sc=False),
    )
    def k(fm_hbm, first_hbm, idx_hbm, emb_out, first_out,
          idx_v, emb_v, first_v, sem_e, sem_f):
        wid = lax.axis_index("s") * 2 + lax.axis_index("c")

        def task_body(j, _):
            t = wid * PER_W + j
            f = t // NCH
            b0 = (t % NCH) * CB
            pltpu.sync_copy(idx_hbm.at[f].at[pl.ds(b0, CB)], idx_v)
            ge = pltpu.async_copy(fm_hbm.at[f].at[idx_v], emb_v, sem_e)
            gf = pltpu.async_copy(first_hbm.at[f].at[idx_v], first_v, sem_f)
            ge.wait()
            gf.wait()
            pltpu.sync_copy(emb_v,
                            emb_out.at[pl.ds(b0, CB), pl.ds(f * D, D)])
            pltpu.sync_copy(first_v, first_out.at[f].at[pl.ds(b0, CB)])
            return _

        lax.fori_loop(0, PER_W, task_body, 0)

    return k(fm_tab, first_tab, idx)


BT = 512


def _tc_body(dense_ref, emb_ref, first_ref, wd_ref, w1a_ref, w1b_ref, b1_ref,
             w2_ref, b2_ref, wout_ref, smat_ref, bias_ref, out_ref):
    dense = dense_ref[...]
    emb = emb_ref[...]
    first = first_ref[...]

    linear = jnp.dot(dense, wd_ref[...],
                     preferred_element_type=jnp.float32)[:, 0]
    linear = linear + jnp.sum(first, axis=0) + bias_ref[0]

    s = jnp.dot(emb, smat_ref[...], preferred_element_type=jnp.float32)
    fm = 0.5 * (jnp.sum(s * s, axis=1) - jnp.sum(emb * emb, axis=1))

    h = jnp.dot(dense, w1a_ref[...], preferred_element_type=jnp.float32)
    h = h + jnp.dot(emb, w1b_ref[...], preferred_element_type=jnp.float32)
    h = jnp.maximum(h + b1_ref[...], 0.0)
    h = jnp.dot(h, w2_ref[...], preferred_element_type=jnp.float32)
    h = jnp.maximum(h + b2_ref[...], 0.0)
    deep = jnp.dot(h, wout_ref[...], preferred_element_type=jnp.float32)[:, 0]

    out_ref[...] = linear + fm + deep


def _tc_mlp(dense_x, emb, firstT, W_dense, W1a, W1b, b1, W2, b2, W_out,
            smat, bias_sum):
    grid = (B // BT,)
    full = lambda i: (0, 0)
    return pl.pallas_call(
        _tc_body,
        grid=grid,
        in_specs=[
            pl.BlockSpec((BT, DENSE_IN), lambda i: (i, 0)),
            pl.BlockSpec((BT, F * D), lambda i: (i, 0)),
            pl.BlockSpec((F, BT), lambda i: (0, i)),
            pl.BlockSpec((DENSE_IN, 1), full),
            pl.BlockSpec((DENSE_IN, H), full),
            pl.BlockSpec((F * D, H), full),
            pl.BlockSpec((1, H), full),
            pl.BlockSpec((H, H), full),
            pl.BlockSpec((1, H), full),
            pl.BlockSpec((H, 1), full),
            pl.BlockSpec((F * D, D), full),
            pl.BlockSpec(memory_space=pltpu.SMEM),
        ],
        out_specs=pl.BlockSpec((BT,), lambda i: (i,)),
        out_shape=jax.ShapeDtypeStruct((B,), jnp.float32),
    )(dense_x, emb, firstT, W_dense, W1a, W1b, b1, W2, b2, W_out, smat,
      bias_sum)


def kernel(cat_x, dense_x, W_first, W_fm, W_dense, b_dense, W1, b1, W2, b2,
           W_out, b_out, bias):
    idx = cat_x.astype(jnp.int32).T

    first2 = jnp.pad(W_first, ((0, 0), (0, VPAD - V), (0, 0))).reshape(F, VPAD)
    emb, firstT = _sc_gather(W_fm, first2, idx)

    smat = (jnp.arange(F * D, dtype=jnp.int32)[:, None] % D
            == jnp.arange(D, dtype=jnp.int32)[None, :]).astype(jnp.float32)
    bias_sum = (bias + b_dense + b_out).reshape(1)
    W1a = W1[:DENSE_IN]
    W1b = W1[DENSE_IN:]

    return _tc_mlp(dense_x, emb, firstT, W_dense, W1a, W1b,
                   b1.reshape(1, H), W2, b2.reshape(1, H), W_out,
                   smat, bias_sum)

# --- scband reference (transcript-rebuilt; emitter-appended) ---
"""Pipeline reference for scband-deep-fm-79628693668333 (READ-ONLY COPY).

The authoritative reference and input builder live on the scoring server;
editing this copy changes nothing except your own understanding.
"""

import jax, jax.numpy as jnp
import numpy as np

B = 16384
F = 26
V = 100000
D = 16
DENSE = 13
H = 400


def setup_inputs(seed: int = 0) -> dict:
    key = jax.random.key(seed)
    ks = jax.random.split(key, 10)
    cat_x = jax.random.randint(ks[0], (B, F), 0, V)
    dense_x = jax.random.normal(ks[1], (B, DENSE), dtype=jnp.float32)
    W_first = jax.random.normal(ks[2], (F, V, 1), dtype=jnp.float32) * 0.01
    W_fm = jax.random.normal(ks[3], (F, V, D), dtype=jnp.float32) * 0.01
    W_dense = jax.random.normal(ks[4], (DENSE, 1), dtype=jnp.float32) * (1.0 / np.sqrt(DENSE))
    b_dense = jnp.zeros((1,), dtype=jnp.float32)
    din = DENSE + F * D
    W1 = jax.random.normal(ks[5], (din, H), dtype=jnp.float32) * (1.0 / np.sqrt(din))
    b1 = jnp.zeros((H,), dtype=jnp.float32)
    W2 = jax.random.normal(ks[6], (H, H), dtype=jnp.float32) * (1.0 / np.sqrt(H))
    b2 = jnp.zeros((H,), dtype=jnp.float32)
    W_out = jax.random.normal(ks[7], (H, 1), dtype=jnp.float32) * (1.0 / np.sqrt(H))
    b_out = jnp.zeros((1,), dtype=jnp.float32)
    bias = jnp.zeros((1,), dtype=jnp.float32)
    return {"cat_x": cat_x, "dense_x": dense_x, "W_first": W_first, "W_fm": W_fm,
            "W_dense": W_dense, "b_dense": b_dense, "W1": W1, "b1": b1,
            "W2": W2, "b2": b2, "W_out": W_out, "b_out": b_out, "bias": bias}


def reference(cat_x, dense_x, W_first, W_fm, W_dense, b_dense, W1, b1, W2, b2, W_out, b_out, bias):
    f_idx = jnp.arange(F)[None, :]  # (1, F) broadcast against (B, F)
    # first-order embedding lookups: (B, F, 1)
    first_terms = W_first[f_idx, cat_x]
    # FM embedding lookups: (B, F, D)
    emb = W_fm[f_idx, cat_x]
    # linear part
    linear_part = bias + dense_x @ W_dense + b_dense  # (B, 1)
    linear_part = linear_part + first_terms.sum(axis=1)  # (B, 1)
    # FM second-order part
    summed = emb.sum(axis=1)  # (B, D)
    fm_part = 0.5 * (summed ** 2 - (emb ** 2).sum(axis=1)).sum(axis=1, keepdims=True)  # (B, 1)
    # deep part
    deep_input = jnp.concatenate([dense_x, emb.reshape(cat_x.shape[0], F * D)], axis=1)
    h = jax.nn.relu(deep_input @ W1 + b1)
    h = jax.nn.relu(h @ W2 + b2)
    deep_part = h @ W_out + b_out  # (B, 1)
    logits = linear_part + fm_part + deep_part
    return logits.squeeze(1)

if __name__ == "__main__":
    import jax
    _d = setup_inputs()
    print(jax.jit(kernel)(*tuple(_d.values())))

</pallas_src>

<mosaic_0001>
#map = affine_map<(d0, d1) -> (0, 0, 0)>
#map1 = affine_map<(d0, d1) -> (0, 0)>
module attributes {stable_mosaic.version = 14 : i64} {
  func.func @k(%arg0: i32, %arg1: i32, %arg2: memref<26x100000x16xf32, #tpu.memory_space<hbm>>, %arg3: memref<26x100096xf32, #tpu.memory_space<hbm>>, %arg4: memref<26x16384xi32, #tpu.memory_space<hbm>>, %arg5: memref<16384x416xf32, #tpu.memory_space<hbm>>, %arg6: memref<26x16384xf32, #tpu.memory_space<hbm>>, %arg7: memref<1024xi32, #tpu.memory_space<vmem>>, %arg8: memref<1024x16xf32, #tpu.memory_space<vmem>>, %arg9: memref<1024xf32, #tpu.memory_space<vmem>>, %arg10: memref<!tpu.dma_semaphore, #tpu.memory_space<semaphore_mem>>, %arg11: memref<!tpu.dma_semaphore, #tpu.memory_space<semaphore_mem>>) attributes {dimension_semantics = [#tpu.dimension_semantics<core_parallel>, #tpu.dimension_semantics<subcore_parallel>], iteration_bounds = array<i64: 2, 16>, scalar_prefetch = 0 : i64, scratch_operands = 5 : i64, tpu.core_type = #tpu.core_type<sc_vector_subcore>, window_params = [{transform_indices = #map}, {transform_indices = #map1}, {transform_indices = #map1}, {transform_indices = #map1}, {transform_indices = #map1}]} {
    %mul3A = arith.constant 2 : i32
    %mul3A_0 = arith.muli %arg1, %mul3A : i32
    %add3A = arith.addi %mul3A_0, %arg0 : i32
    %scan3A = arith.constant 0 : i32
    %scan3A_1 = arith.constant 0 : i32
    %scan3A_2 = arith.constant 13 : i32
    %scan3A_3 = arith.addi %scan3A_1, %scan3A_2 : i32
    %scan3A_4 = arith.constant 1 : i32
    scf.for %scan3A_6 = %scan3A_1 to %scan3A_3 step %scan3A_4  : i32 {
      %mul3A_7 = arith.constant 13 : i32
      %mul3A_8 = arith.muli %add3A, %mul3A_7 : i32
      %add3A_9 = arith.addi %mul3A_8, %scan3A_6 : i32
      %jit3A = arith.constant 16 : i32
      %div3A = arith.divsi %add3A_9, %jit3A : i32
      %sign3A = arith.constant 0 : i32
      %sign3A_10 = arith.cmpi sgt, %add3A_9, %sign3A : i32
      %sign3A_11 = arith.extui %sign3A_10 : i1 to i32
      %sign3A_12 = arith.constant 0 : i32
      %sign3A_13 = arith.cmpi slt, %add3A_9, %sign3A_12 : i32
      %sign3A_14 = arith.extui %sign3A_13 : i1 to i32
      %sign3A_15 = arith.subi %sign3A_11, %sign3A_14 : i32
      %sign3A_16 = arith.constant 0 : i32
      %sign3A_17 = arith.cmpi sgt, %jit3A, %sign3A_16 : i32
      %sign3A_18 = arith.extui %sign3A_17 : i1 to i32
      %sign3A_19 = arith.constant 0 : i32
      %sign3A_20 = arith.cmpi slt, %jit3A, %sign3A_19 : i32
      %sign3A_21 = arith.extui %sign3A_20 : i1 to i32
      %sign3A_22 = arith.subi %sign3A_18, %sign3A_21 : i32
      %ne3A = arith.cmpi ne, %sign3A_15, %sign3A_22 : i32
      %rem3A = arith.remsi %add3A_9, %jit3A : i32
      %ne3A_23 = arith.constant 0 : i32
      %ne3A_24 = arith.cmpi ne, %rem3A, %ne3A_23 : i32
      %and3A = arith.andi %ne3A, %ne3A_24 : i1
      %sub3A = arith.constant 1 : i32
      %sub3A_25 = arith.subi %div3A, %sub3A : i32
      %select_n3A = arith.select %and3A, %sub3A_25, %div3A : i32
      %jit3A_26 = arith.constant 16 : i32
      %eq3A = arith.constant 0 : i32
      %eq3A_27 = arith.cmpi eq, %jit3A_26, %eq3A : i32
      %jit3A_28 = arith.constant 1 : i32
      %select_n3A_29 = arith.select %eq3A_27, %jit3A_28, %jit3A_26 : i32
      %rem3A_30 = arith.remsi %add3A_9, %select_n3A_29 : i32
      %ne3A_31 = arith.constant 0 : i32
      %ne3A_32 = arith.cmpi ne, %rem3A_30, %ne3A_31 : i32
      %lt3A = arith.constant 0 : i32
      %lt3A_33 = arith.cmpi slt, %rem3A_30, %lt3A : i32
      %lt3A_34 = arith.constant 0 : i32
      %lt3A_35 = arith.cmpi slt, %select_n3A_29, %lt3A_34 : i32
      %ne3A_36 = arith.xori %lt3A_33, %lt3A_35 : i1
      %and3A_37 = arith.andi %ne3A_36, %ne3A_32 : i1
      %add3A_38 = arith.addi %rem3A_30, %select_n3A_29 : i32
      %select_n3A_39 = arith.select %and3A_37, %add3A_38, %rem3A_30 : i32
      %mul3A_40 = arith.constant 1024 : i32
      %mul3A_41 = arith.muli %select_n3A_39, %mul3A_40 : i32
      "tpu.region"() ({
        %run_scoped3A = tpu.sem_alloc : memref<!tpu.dma_semaphore, #tpu.memory_space<semaphore_mem>>
        %dma_start3A_66 = arith.constant 0 : i32
        %dma_start3A_67 = tpu.memref_slice %arg4[%select_n3A, %dma_start3A_66] : memref<26x16384xi32, #tpu.memory_space<hbm>> -> memref<1x16384xi32, #tpu.memory_space<hbm>>
        %dma_start3A_68 = tpu.memref_squeeze %dma_start3A_67 : memref<1x16384xi32, #tpu.memory_space<hbm>> -> memref<16384xi32, #tpu.memory_space<hbm>>
        %dma_start3A_69 = tpu.memref_slice %dma_start3A_68[%mul3A_41] : memref<16384xi32, #tpu.memory_space<hbm>> -> memref<1024xi32, #tpu.memory_space<hbm>>
        %dma_start3A_70 = arith.constant 0 : i32
        %dma_start3A_71 = tpu.memref_slice %arg4[%select_n3A, %dma_start3A_70] : memref<26x16384xi32, #tpu.memory_space<hbm>> -> memref<1x16384xi32, #tpu.memory_space<hbm>>
        %dma_start3A_72 = tpu.memref_squeeze %dma_start3A_71 : memref<1x16384xi32, #tpu.memory_space<hbm>> -> memref<16384xi32, #tpu.memory_space<hbm>>
        %dma_start3A_73 = tpu.memref_slice %dma_start3A_72[%mul3A_41] : memref<16384xi32, #tpu.memory_space<hbm>> -> memref<1024xi32, #tpu.memory_space<hbm>>
        tpu.enqueue_dma source(%dma_start3A_73 : memref<1024xi32, #tpu.memory_space<hbm>>) target(%arg7 : memref<1024xi32, #tpu.memory_space<vmem>>) target_semaphore(%run_scoped3A : memref<!tpu.dma_semaphore, #tpu.memory_space<semaphore_mem>>)
        %dma_wait3A_74 = arith.constant 0 : i32
        %dma_wait3A_75 = tpu.memref_slice %arg4[%select_n3A, %dma_wait3A_74] : memref<26x16384xi32, #tpu.memory_space<hbm>> -> memref<1x16384xi32, #tpu.memory_space<hbm>>
        %dma_wait3A_76 = tpu.memref_squeeze %dma_wait3A_75 : memref<1x16384xi32, #tpu.memory_space<hbm>> -> memref<16384xi32, #tpu.memory_space<hbm>>
        %dma_wait3A_77 = tpu.memref_slice %dma_wait3A_76[%mul3A_41] : memref<16384xi32, #tpu.memory_space<hbm>> -> memref<1024xi32, #tpu.memory_space<hbm>>
        %dma_wait3A_78 = arith.constant 0 : i32
        %dma_wait3A_79 = tpu.memref_slice %arg4[%select_n3A, %dma_wait3A_78] : memref<26x16384xi32, #tpu.memory_space<hbm>> -> memref<1x16384xi32, #tpu.memory_space<hbm>>
        %dma_wait3A_80 = tpu.memref_squeeze %dma_wait3A_79 : memref<1x16384xi32, #tpu.memory_space<hbm>> -> memref<16384xi32, #tpu.memory_space<hbm>>
        %dma_wait3A_81 = tpu.memref_slice %dma_wait3A_80[%mul3A_41] : memref<16384xi32, #tpu.memory_space<hbm>> -> memref<1024xi32, #tpu.memory_space<hbm>>
        tpu.wait_dma2 semaphore(%run_scoped3A : memref<!tpu.dma_semaphore, #tpu.memory_space<semaphore_mem>>) src(%dma_wait3A_81 : memref<1024xi32, #tpu.memory_space<hbm>>) dst(%arg7 : memref<1024xi32, #tpu.memory_space<vmem>>)
        tpu.yield
      }) : () -> ()
      %dma_start3A = arith.constant 0 : i32
      %dma_start3A_42 = arith.constant 0 : i32
      %dma_start3A_43 = tpu.memref_slice %arg2[%select_n3A, %dma_start3A, %dma_start3A_42] : memref<26x100000x16xf32, #tpu.memory_space<hbm>> -> memref<1x100000x16xf32, #tpu.memory_space<hbm>>
      %dma_start3A_44 = tpu.memref_squeeze %dma_start3A_43 : memref<1x100000x16xf32, #tpu.memory_space<hbm>> -> memref<100000x16xf32, #tpu.memory_space<hbm>>
      %dma_start3A_45 = arith.constant 0 : i32
      %dma_start3A_46 = arith.constant 0 : i32
      %dma_start3A_47 = tpu.memref_slice %dma_start3A_44[%dma_start3A_45, %dma_start3A_46] : memref<100000x16xf32, #tpu.memory_space<hbm>> -> memref<100000x16xf32, #tpu.memory_space<hbm>>
      tpu.enqueue_indirect_dma source(%dma_start3A_47 : memref<100000x16xf32, #tpu.memory_space<hbm>>) target(%arg8 : memref<1024x16xf32, #tpu.memory_space<vmem>>) offsets(%arg7 : memref<1024xi32, #tpu.memory_space<vmem>>) semaphore(%arg10 : memref<!tpu.dma_semaphore, #tpu.memory_space<semaphore_mem>>)
      %dma_start3A_48 = arith.constant 0 : i32
      %dma_start3A_49 = tpu.memref_slice %arg3[%select_n3A, %dma_start3A_48] : memref<26x100096xf32, #tpu.memory_space<hbm>> -> memref<1x100096xf32, #tpu.memory_space<hbm>>
      %dma_start3A_50 = tpu.memref_squeeze %dma_start3A_49 : memref<1x100096xf32, #tpu.memory_space<hbm>> -> memref<100096xf32, #tpu.memory_space<hbm>>
      %dma_start3A_51 = arith.constant 0 : i32
      %dma_start3A_52 = tpu.memref_slice %dma_start3A_50[%dma_start3A_51] : memref<100096xf32, #tpu.memory_space<hbm>> -> memref<100096xf32, #tpu.memory_space<hbm>>
      tpu.enqueue_indirect_dma source(%dma_start3A_52 : memref<100096xf32, #tpu.memory_space<hbm>>) target(%arg9 : memref<1024xf32, #tpu.memory_space<vmem>>) offsets(%arg7 : memref<1024xi32, #tpu.memory_space<vmem>>) semaphore(%arg11 : memref<!tpu.dma_semaphore, #tpu.memory_space<semaphore_mem>>)
      %dma_wait3A = arith.constant 0 : i32
      %dma_wait3A_53 = arith.constant 0 : i32
      %dma_wait3A_54 = tpu.memref_slice %arg2[%select_n3A, %dma_wait3A, %dma_wait3A_53] : memref<26x100000x16xf32, #tpu.memory_space<hbm>> -> memref<1x100000x16xf32, #tpu.memory_space<hbm>>
      %dma_wait3A_55 = tpu.memref_squeeze %dma_wait3A_54 : memref<1x100000x16xf32, #tpu.memory_space<hbm>> -> memref<100000x16xf32, #tpu.memory_space<hbm>>
      %dma_wait3A_56 = arith.constant 0 : i32
      %dma_wait3A_57 = arith.constant 0 : i32
      %dma_wait3A_58 = tpu.memref_slice %dma_wait3A_55[%dma_wait3A_56, %dma_wait3A_57] : memref<100000x16xf32, #tpu.memory_space<hbm>> -> memref<100000x16xf32, #tpu.memory_space<hbm>>
      tpu.wait_indirect_dma semaphore(%arg10 : memref<!tpu.dma_semaphore, #tpu.memory_space<semaphore_mem>>) src(%dma_wait3A_58 : memref<100000x16xf32, #tpu.memory_space<hbm>>) dst(%arg8 : memref<1024x16xf32, #tpu.memory_space<vmem>>)
      %dma_wait3A_59 = arith.constant 0 : i32
      %dma_wait3A_60 = tpu.memref_slice %arg3[%select_n3A, %dma_wait3A_59] : memref<26x100096xf32, #tpu.memory_space<hbm>> -> memref<1x100096xf32, #tpu.memory_space<hbm>>
      %dma_wait3A_61 = tpu.memref_squeeze %dma_wait3A_60 : memref<1x100096xf32, #tpu.memory_space<hbm>> -> memref<100096xf32, #tpu.memory_space<hbm>>
      %dma_wait3A_62 = arith.constant 0 : i32
      %dma_wait3A_63 = tpu.memref_slice %dma_wait3A_61[%dma_wait3A_62] : memref<100096xf32, #tpu.memory_space<hbm>> -> memref<100096xf32, #tpu.memory_space<hbm>>
      tpu.wait_indirect_dma semaphore(%arg11 : memref<!tpu.dma_semaphore, #tpu.memory_space<semaphore_mem>>) src(%dma_wait3A_63 : memref<100096xf32, #tpu.memory_space<hbm>>) dst(%arg9 : memref<1024xf32, #tpu.memory_space<vmem>>)
      %mul3A_64 = arith.constant 16 : i32
      %mul3A_65 = arith.muli %select_n3A, %mul3A_64 : i32
      "tpu.region"() ({
        %run_scoped3A = tpu.sem_alloc : memref<!tpu.dma_semaphore, #tpu.memory_space<semaphore_mem>>
        %dma_start3A_66 = tpu.memref_slice %arg5[%mul3A_41, %mul3A_65] : memref<16384x416xf32, #tpu.memory_space<hbm>> -> memref<1024x16xf32, #tpu.memory_space<hbm>>
        %dma_start3A_67 = tpu.memref_slice %arg5[%mul3A_41, %mul3A_65] : memref<16384x416xf32, #tpu.memory_space<hbm>> -> memref<1024x16xf32, #tpu.memory_space<hbm>>
        tpu.enqueue_dma source(%arg8 : memref<1024x16xf32, #tpu.memory_space<vmem>>) target(%dma_start3A_67 : memref<1024x16xf32, #tpu.memory_space<hbm>>) target_semaphore(%run_scoped3A : memref<!tpu.dma_semaphore, #tpu.memory_space<semaphore_mem>>)
        %dma_wait3A_68 = tpu.memref_slice %arg5[%mul3A_41, %mul3A_65] : memref<16384x416xf32, #tpu.memory_space<hbm>> -> memref<1024x16xf32, #tpu.memory_space<hbm>>
        %dma_wait3A_69 = tpu.memref_slice %arg5[%mul3A_41, %mul3A_65] : memref<16384x416xf32, #tpu.memory_space<hbm>> -> memref<1024x16xf32, #tpu.memory_space<hbm>>
        tpu.wait_dma2 semaphore(%run_scoped3A : memref<!tpu.dma_semaphore, #tpu.memory_space<semaphore_mem>>) src(%arg8 : memref<1024x16xf32, #tpu.memory_space<vmem>>) dst(%dma_wait3A_69 : memref<1024x16xf32, #tpu.memory_space<hbm>>)
        tpu.yield
      }) : () -> ()
      "tpu.region"() ({
        %run_scoped3A = tpu.sem_alloc : memref<!tpu.dma_semaphore, #tpu.memory_space<semaphore_mem>>
        %dma_start3A_66 = arith.constant 0 : i32
        %dma_start3A_67 = tpu.memref_slice %arg6[%select_n3A, %dma_start3A_66] : memref<26x16384xf32, #tpu.memory_space<hbm>> -> memref<1x16384xf32, #tpu.memory_space<hbm>>
        %dma_start3A_68 = tpu.memref_squeeze %dma_start3A_67 : memref<1x16384xf32, #tpu.memory_space<hbm>> -> memref<16384xf32, #tpu.memory_space<hbm>>
        %dma_start3A_69 = tpu.memref_slice %dma_start3A_68[%mul3A_41] : memref<16384xf32, #tpu.memory_space<hbm>> -> memref<1024xf32, #tpu.memory_space<hbm>>
        %dma_start3A_70 = arith.constant 0 : i32
        %dma_start3A_71 = tpu.memref_slice %arg6[%select_n3A, %dma_start3A_70] : memref<26x16384xf32, #tpu.memory_space<hbm>> -> memref<1x16384xf32, #tpu.memory_space<hbm>>
        %dma_start3A_72 = tpu.memref_squeeze %dma_start3A_71 : memref<1x16384xf32, #tpu.memory_space<hbm>> -> memref<16384xf32, #tpu.memory_space<hbm>>
        %dma_start3A_73 = tpu.memref_slice %dma_start3A_72[%mul3A_41] : memref<16384xf32, #tpu.memory_space<hbm>> -> memref<1024xf32, #tpu.memory_space<hbm>>
        tpu.enqueue_dma source(%arg9 : memref<1024xf32, #tpu.memory_space<vmem>>) target(%dma_start3A_73 : memref<1024xf32, #tpu.memory_space<hbm>>) target_semaphore(%run_scoped3A : memref<!tpu.dma_semaphore, #tpu.memory_space<semaphore_mem>>)
        %dma_wait3A_74 = arith.constant 0 : i32
        %dma_wait3A_75 = tpu.memref_slice %arg6[%select_n3A, %dma_wait3A_74] : memref<26x16384xf32, #tpu.memory_space<hbm>> -> memref<1x16384xf32, #tpu.memory_space<hbm>>
        %dma_wait3A_76 = tpu.memref_squeeze %dma_wait3A_75 : memref<1x16384xf32, #tpu.memory_space<hbm>> -> memref<16384xf32, #tpu.memory_space<hbm>>
        %dma_wait3A_77 = tpu.memref_slice %dma_wait3A_76[%mul3A_41] : memref<16384xf32, #tpu.memory_space<hbm>> -> memref<1024xf32, #tpu.memory_space<hbm>>
        %dma_wait3A_78 = arith.constant 0 : i32
        %dma_wait3A_79 = tpu.memref_slice %arg6[%select_n3A, %dma_wait3A_78] : memref<26x16384xf32, #tpu.memory_space<hbm>> -> memref<1x16384xf32, #tpu.memory_space<hbm>>
        %dma_wait3A_80 = tpu.memref_squeeze %dma_wait3A_79 : memref<1x16384xf32, #tpu.memory_space<hbm>> -> memref<16384xf32, #tpu.memory_space<hbm>>
        %dma_wait3A_81 = tpu.memref_slice %dma_wait3A_80[%mul3A_41] : memref<16384xf32, #tpu.memory_space<hbm>> -> memref<1024xf32, #tpu.memory_space<hbm>>
        tpu.wait_dma2 semaphore(%run_scoped3A : memref<!tpu.dma_semaphore, #tpu.memory_space<semaphore_mem>>) src(%arg9 : memref<1024xf32, #tpu.memory_space<vmem>>) dst(%dma_wait3A_81 : memref<1024xf32, #tpu.memory_space<hbm>>)
        tpu.yield
      }) : () -> ()
    }
    %scan3A_5 = arith.constant 13 : i32
    return
  }
}

module attributes {stable_mosaic.version = 14 : i64} {
  func.func @_tc_body(%arg0: i32, %arg1: memref<512x13xf32, #tpu.memory_space<vmem>>, %arg2: memref<512x416xf32, #tpu.memory_space<vmem>>, %arg3: memref<26x512xf32, #tpu.memory_space<vmem>>, %arg4: memref<13x1xf32, #tpu.memory_space<vmem>>, %arg5: memref<13x400xf32, #tpu.memory_space<vmem>>, %arg6: memref<416x400xf32, #tpu.memory_space<vmem>>, %arg7: memref<1x400xf32, #tpu.memory_space<vmem>>, %arg8: memref<400x400xf32, #tpu.memory_space<vmem>>, %arg9: memref<1x400xf32, #tpu.memory_space<vmem>>, %arg10: memref<400x1xf32, #tpu.memory_space<vmem>>, %arg11: memref<416x16xf32, #tpu.memory_space<vmem>>, %arg12: memref<1xf32, #tpu.memory_space<smem>>, %arg13: memref<512xf32, #tpu.memory_space<vmem>>) attributes {dimension_semantics = [#tpu.dimension_semantics<arbitrary>], iteration_bounds = array<i64: 32>, scalar_prefetch = 0 : i64, scratch_operands = 0 : i64, tpu.core_type = #tpu.core_type<tc>, window_params = [{transform_indices = @transform_0, window_bounds = array<i64: 512, 13>}, {transform_indices = @transform_1, window_bounds = array<i64: 512, 416>}, {transform_indices = @transform_2, window_bounds = array<i64: 26, 512>}, {pipeline_mode = #tpu.pipeline_mode<synchronous>, transform_indices = @transform_3, window_bounds = array<i64: 13, 1>}, {pipeline_mode = #tpu.pipeline_mode<synchronous>, transform_indices = @transform_4, window_bounds = array<i64: 13, 400>}, {pipeline_mode = #tpu.pipeline_mode<synchronous>, transform_indices = @transform_5, window_bounds = array<i64: 416, 400>}, {pipeline_mode = #tpu.pipeline_mode<synchronous>, transform_indices = @transform_6, window_bounds = array<i64: 1, 400>}, {pipeline_mode = #tpu.pipeline_mode<synchronous>, transform_indices = @transform_7, window_bounds = array<i64: 400, 400>}, {pipeline_mode = #tpu.pipeline_mode<synchronous>, transform_indices = @transform_8, window_bounds = array<i64: 1, 400>}, {pipeline_mode = #tpu.pipeline_mode<synchronous>, transform_indices = @transform_9, window_bounds = array<i64: 400, 1>}, {pipeline_mode = #tpu.pipeline_mode<synchronous>, transform_indices = @transform_10, window_bounds = array<i64: 416, 16>}, {transform_indices = @transform_11, window_bounds = array<i64: 1>}, {transform_indices = @transform_12, window_bounds = array<i64: 512>}]} {
    %get3A = arith.constant 0 : index
    %get3A_0 = arith.constant 0 : index
    %get3A_1 = vector.load %arg1[%get3A, %get3A_0] : memref<512x13xf32, #tpu.memory_space<vmem>>, vector<512x13xf32>
    %get3A_2 = arith.constant 0 : index
    %get3A_3 = arith.constant 0 : index
    %get3A_4 = vector.load %arg2[%get3A_2, %get3A_3] : memref<512x416xf32, #tpu.memory_space<vmem>>, vector<512x416xf32>
    %get3A_5 = arith.constant 0 : index
    %get3A_6 = arith.constant 0 : index
    %get3A_7 = vector.load %arg3[%get3A_5, %get3A_6] : memref<26x512xf32, #tpu.memory_space<vmem>>, vector<26x512xf32>
    %get3A_8 = arith.constant 0 : index
    %get3A_9 = arith.constant 0 : index
    %get3A_10 = vector.load %arg4[%get3A_8, %get3A_9] : memref<13x1xf32, #tpu.memory_space<vmem>>, vector<13x1xf32>
    %dot_general3A = arith.constant dense<0.000000e+00> : vector<512x1xf32>
    %dot_general3A_11 = tpu.matmul %get3A_1, %get3A_10, %dot_general3A {dimension_numbers = #tpu.dot_dimension_numbers<[1], [0], [0], [1], [0, 0, 1, 1], [], []>, transpose_lhs_hint = false} : vector<512x13xf32>, vector<13x1xf32>, vector<512x1xf32> -> vector<512x1xf32>
    %squeeze3A = vector.shape_cast %dot_general3A_11 : vector<512x1xf32> to vector<512xf32>
    %reduce_sum3A = arith.constant dense<0.000000e+00> : vector<512xf32>
    %reduce_sum3A_12 = vector.multi_reduction <add>, %get3A_7, %reduce_sum3A [0] : vector<26x512xf32> to vector<512xf32>
    %add3A = arith.addf %squeeze3A, %reduce_sum3A_12 : vector<512xf32>
    %get3A_13 = arith.constant 0 : index
    %get3A_14 = memref.load %arg12[%get3A_13] : memref<1xf32, #tpu.memory_space<smem>>
    %add3A_15 = vector.broadcast %get3A_14 : f32 to vector<512xf32>
    %add3A_16 = arith.addf %add3A, %add3A_15 : vector<512xf32>
    %get3A_17 = arith.constant 0 : index
    %get3A_18 = arith.constant 0 : index
    %get3A_19 = vector.load %arg11[%get3A_17, %get3A_18] : memref<416x16xf32, #tpu.memory_space<vmem>>, vector<416x16xf32>
    %dot_general3A_20 = arith.constant dense<0.000000e+00> : vector<512x16xf32>
    %dot_general3A_21 = tpu.matmul %get3A_4, %get3A_19, %dot_general3A_20 {dimension_numbers = #tpu.dot_dimension_numbers<[1], [0], [0], [1], [0, 0, 1, 1], [], []>, transpose_lhs_hint = false} : vector<512x416xf32>, vector<416x16xf32>, vector<512x16xf32> -> vector<512x16xf32>
    %mul3A = arith.mulf %dot_general3A_21, %dot_general3A_21 : vector<512x16xf32>
    %reduce_sum3A_22 = arith.constant dense<0.000000e+00> : vector<512xf32>
    %reduce_sum3A_23 = vector.multi_reduction <add>, %mul3A, %reduce_sum3A_22 [1] : vector<512x16xf32> to vector<512xf32>
    %mul3A_24 = arith.mulf %get3A_4, %get3A_4 : vector<512x416xf32>
    %reduce_sum3A_25 = arith.constant dense<0.000000e+00> : vector<512xf32>
    %reduce_sum3A_26 = vector.multi_reduction <add>, %mul3A_24, %reduce_sum3A_25 [1] : vector<512x416xf32> to vector<512xf32>
    %sub3A = arith.subf %reduce_sum3A_23, %reduce_sum3A_26 : vector<512xf32>
    %mul3A_27 = arith.constant 5.000000e-01 : f32
    %mul3A_28 = vector.broadcast %mul3A_27 : f32 to vector<512xf32>
    %mul3A_29 = arith.mulf %mul3A_28, %sub3A : vector<512xf32>
    %get3A_30 = arith.constant 0 : index
    %get3A_31 = arith.constant 0 : index
    %get3A_32 = vector.load %arg5[%get3A_30, %get3A_31] : memref<13x400xf32, #tpu.memory_space<vmem>>, vector<13x400xf32>
    %dot_general3A_33 = arith.constant dense<0.000000e+00> : vector<512x400xf32>
    %dot_general3A_34 = tpu.matmul %get3A_1, %get3A_32, %dot_general3A_33 {dimension_numbers = #tpu.dot_dimension_numbers<[1], [0], [0], [1], [0, 0, 1, 1], [], []>, transpose_lhs_hint = false} : vector<512x13xf32>, vector<13x400xf32>, vector<512x400xf32> -> vector<512x400xf32>
    %get3A_35 = arith.constant 0 : index
    %get3A_36 = arith.constant 0 : index
    %get3A_37 = vector.load %arg6[%get3A_35, %get3A_36] : memref<416x400xf32, #tpu.memory_space<vmem>>, vector<416x400xf32>
    %dot_general3A_38 = arith.constant dense<0.000000e+00> : vector<512x400xf32>
    %dot_general3A_39 = tpu.matmul %get3A_4, %get3A_37, %dot_general3A_38 {dimension_numbers = #tpu.dot_dimension_numbers<[1], [0], [0], [1], [0, 0, 1, 1], [], []>, transpose_lhs_hint = false} : vector<512x416xf32>, vector<416x400xf32>, vector<512x400xf32> -> vector<512x400xf32>
    %add3A_40 = arith.addf %dot_general3A_34, %dot_general3A_39 : vector<512x400xf32>
    %get3A_41 = arith.constant 0 : index
    %get3A_42 = arith.constant 0 : index
    %get3A_43 = vector.load %arg7[%get3A_41, %get3A_42] : memref<1x400xf32, #tpu.memory_space<vmem>>, vector<1x400xf32>
    %add3A_44 = vector.broadcast %get3A_43 : vector<1x400xf32> to vector<512x400xf32>
    %add3A_45 = arith.addf %add3A_40, %add3A_44 : vector<512x400xf32>
    %max3A = arith.constant 0.000000e+00 : f32
    %max3A_46 = vector.broadcast %max3A : f32 to vector<512x400xf32>
    %max3A_47 = arith.maximumf %add3A_45, %max3A_46 : vector<512x400xf32>
    %get3A_48 = arith.constant 0 : index
    %get3A_49 = arith.constant 0 : index
    %get3A_50 = vector.load %arg8[%get3A_48, %get3A_49] : memref<400x400xf32, #tpu.memory_space<vmem>>, vector<400x400xf32>
    %dot_general3A_51 = arith.constant dense<0.000000e+00> : vector<512x400xf32>
    %dot_general3A_52 = tpu.matmul %max3A_47, %get3A_50, %dot_general3A_51 {dimension_numbers = #tpu.dot_dimension_numbers<[1], [0], [0], [1], [0, 0, 1, 1], [], []>, transpose_lhs_hint = false} : vector<512x400xf32>, vector<400x400xf32>, vector<512x400xf32> -> vector<512x400xf32>
    %get3A_53 = arith.constant 0 : index
    %get3A_54 = arith.constant 0 : index
    %get3A_55 = vector.load %arg9[%get3A_53, %get3A_54] : memref<1x400xf32, #tpu.memory_space<vmem>>, vector<1x400xf32>
    %add3A_56 = vector.broadcast %get3A_55 : vector<1x400xf32> to vector<512x400xf32>
    %add3A_57 = arith.addf %dot_general3A_52, %add3A_56 : vector<512x400xf32>
    %max3A_58 = arith.constant 0.000000e+00 : f32
    %max3A_59 = vector.broadcast %max3A_58 : f32 to vector<512x400xf32>
    %max3A_60 = arith.maximumf %add3A_57, %max3A_59 : vector<512x400xf32>
    %get3A_61 = arith.constant 0 : index
    %get3A_62 = arith.constant 0 : index
    %get3A_63 = vector.load %arg10[%get3A_61, %get3A_62] : memref<400x1xf32, #tpu.memory_space<vmem>>, vector<400x1xf32>
    %dot_general3A_64 = arith.constant dense<0.000000e+00> : vector<512x1xf32>
    %dot_general3A_65 = tpu.matmul %max3A_60, %get3A_63, %dot_general3A_64 {dimension_numbers = #tpu.dot_dimension_numbers<[1], [0], [0], [1], [0, 0, 1, 1], [], []>, transpose_lhs_hint = false} : vector<512x400xf32>, vector<400x1xf32>, vector<512x1xf32> -> vector<512x1xf32>
    %squeeze3A_66 = vector.shape_cast %dot_general3A_65 : vector<512x1xf32> to vector<512xf32>
    %add3A_67 = arith.addf %add3A_16, %mul3A_29 : vector<512xf32>
    %add3A_68 = arith.addf %add3A_67, %squeeze3A_66 : vector<512xf32>
    %swap3A = arith.constant 0 : index
    %swap3A_69 = vector.load %arg13[%swap3A] : memref<512xf32, #tpu.memory_space<vmem>>, vector<512xf32>
    tpu.vector_store %arg13[%swap3A], %add3A_68 {strides = array<i32>} : memref<512xf32, #tpu.memory_space<vmem>>, vector<512xf32>,
    return
  }
  func.func @transform_0(%arg0: i32) -> (i32, i32) {
    %c0_i32 = arith.constant 0 : i32
    %c0_i32_0 = arith.constant 0 : i32
    return %arg0, %c0_i32 : i32, i32
  }
  func.func @transform_1(%arg0: i32) -> (i32, i32) {
    %c0_i32 = arith.constant 0 : i32
    %c0_i32_0 = arith.constant 0 : i32
    return %arg0, %c0_i32 : i32, i32
  }
  func.func @transform_2(%arg0: i32) -> (i32, i32) {
    %c0_i32 = arith.constant 0 : i32
    %c0_i32_0 = arith.constant 0 : i32
    return %c0_i32, %arg0 : i32, i32
  }
  func.func @transform_3(%arg0: i32) -> (i32, i32) {
    %c0_i32 = arith.constant 0 : i32
    %c0_i32_0 = arith.constant 0 : i32
    %c0_i32_1 = arith.constant 0 : i32
    return %c0_i32, %c0_i32_0 : i32, i32
  }
  func.func @transform_4(%arg0: i32) -> (i32, i32) {
    %c0_i32 = arith.constant 0 : i32
    %c0_i32_0 = arith.constant 0 : i32
    %c0_i32_1 = arith.constant 0 : i32
    return %c0_i32, %c0_i32_0 : i32, i32
  }
  func.func @transform_5(%arg0: i32) -> (i32, i32) {
    %c0_i32 = arith.constant 0 : i32
    %c0_i32_0 = arith.constant 0 : i32
    %c0_i32_1 = arith.constant 0 : i32
    return %c0_i32, %c0_i32_0 : i32, i32
  }
  func.func @transform_6(%arg0: i32) -> (i32, i32) {
    %c0_i32 = arith.constant 0 : i32
    %c0_i32_0 = arith.constant 0 : i32
    %c0_i32_1 = arith.constant 0 : i32
    return %c0_i32, %c0_i32_0 : i32, i32
  }
  func.func @transform_7(%arg0: i32) -> (i32, i32) {
    %c0_i32 = arith.constant 0 : i32
    %c0_i32_0 = arith.constant 0 : i32
    %c0_i32_1 = arith.constant 0 : i32
    return %c0_i32, %c0_i32_0 : i32, i32
  }
  func.func @transform_8(%arg0: i32) -> (i32, i32) {
    %c0_i32 = arith.constant 0 : i32
    %c0_i32_0 = arith.constant 0 : i32
    %c0_i32_1 = arith.constant 0 : i32
    return %c0_i32, %c0_i32_0 : i32, i32
  }
  func.func @transform_9(%arg0: i32) -> (i32, i32) {
    %c0_i32 = arith.constant 0 : i32
    %c0_i32_0 = arith.constant 0 : i32
    %c0_i32_1 = arith.constant 0 : i32
    return %c0_i32, %c0_i32_0 : i32, i32
  }
  func.func @transform_10(%arg0: i32) -> (i32, i32) {
    %c0_i32 = arith.constant 0 : i32
    %c0_i32_0 = arith.constant 0 : i32
    %c0_i32_1 = arith.constant 0 : i32
    return %c0_i32, %c0_i32_0 : i32, i32
  }
  func.func @transform_11(%arg0: i32) -> i32 {
    %c0_i32 = arith.constant 0 : i32
    %c0_i32_0 = arith.constant 0 : i32
    return %c0_i32 : i32
  }
  func.func @transform_12(%arg0: i32) -> i32 {
    %c0_i32 = arith.constant 0 : i32
    return %arg0 : i32
  }
}

</mosaic_0001>

<sc_bundles>
// kernel: kernel.4.cloned.1.call-start
scs
__scs_entry_jumppad:
0x0: {  	(pc) =	sbr.rel $0x88, $3  }
0x1: {  	(tag) =	ssettag $0x0;
	lr =	simm.s32 $0x1  }
0x2: {  	[smem:$0x3F94] =	sst lr;
	_ =	strace $0xD0000000  }
0x3: {  	_ = 	snop  }
0x4: {  	_ = 	snop  }
0x5: {  	_ = 	snop  }
0x6: {  	_ = 	snop  }
0x7: {  	_ = 	snop  }
__scs_overlays_trampoline_lowered:
0x8: {  	[smem:$0x3FA3] =	sst s0  }
0x9: {  	[smem:$0x3FA4] =	sst s1  }
0xa: {  	[smem:$0x3FA5] =	sst s2  }
0xb: {  	[smem:$0x3FA6] =	sst s3  }
0xc: {  	[smem:$0x3FA7] =	sst s4  }
0xd: {  	[smem:$0x3FA8] =	sst s5  }
0xe: {  	[smem:$0x3FA9] =	sst s6  }
0xf: {  	[smem:$0x3FAA] =	sst s7  }
0x10: {  	[smem:$0x3FAB] =	sst s8  }
0x11: {  	[smem:$0x3FAC] =	sst s9;
	s0 =	simm.s32 @!p0 $0x0  }
0x12: {  	s1 =	sld [smem:$0x3F92];
	s0 =	simm.s32 @p0 $0x1  }
0x13: {  	[smem:$0x3FAD] =	sst s0;
	s0 =	simm.s32 @!p1 $0x0  }
0x14: {  	s2 =	sld [smem:$0x3F91];
	s0 =	simm.s32 @p1 $0x1  }
0x15: {  	[smem:$0x3FAE] =	sst s0;
	s0 =	simm.s32 @!p2 $0x0  }
0x16: {  	s3 =	sld [smem:$0x3FDB];
	s0 =	simm.s32 @p2 $0x1  }
0x17: {  	s4 =	simm.s32 $0x1BF5;
	[smem:$0x3FB0] =	sst s0  }
0x18: {  	s0 =	sld [smem:$0x3F93];
	_ =	swait.ge [sflag:s4], $0x0  }
0x19: {  	s7 =	sld [smem:$0x3F94]  }
0x1a: {  	s8 =	sadd.s32 $0xFFFFE003, lr  }
0x1b: {  	s9 =	sadd.s32 $0xFFFFFEF7, lr;
	s5 =	simm.s32 $0xFFFFFFFF;
	p2 =	slt.u32 s8, $0xFFFFF086  }
0x1c: {  	p1 =	slt.u32 s9, $0xF7A;
	s5 =	simm.s32 @!p2 $0x0  }
0x1d: {  	s5 =	simm.s32 @p1 $0x1;
	p0 =	seq.s32 s7, s2  }
0x1e: {  	s7 =	smul.u32 @!p0 $0xF7A, s2;
	p2 =	seq.s32 @!p0 s5, $0x0  }
0x1f: {  	s9 =	smul.u32 $0xF7A, s1;
	s8 =	simm.s32 @!p0 $0x1BF5;
	p2 =	por !p2, p0  }
0x20: {  	[sflag:s8] =	ssyncset.s32 @!p0 $0xFFFFF086;
	s6 =	sadd.s32 @!p0 s3, s7;
	s7 =	simm.s32 @!p0 $0x108  }
0x21: {  	s3 =	sadd.s32 s3, s9;
	s6 =	sadd.s32 @!p0 $0x88, s6;
	s7 =	simm.s32 @p2 $0x1082  }
0x22: {  	[simem:s7], [sflag:s8] =	dma.local @!p0 [hbm:s6], $0xF7A  }
0x23: {  	s9 =	sor.u32 $0xD0000000, s2;
	s6 =	simm.s32 $0x108;
	_ =	swait.ge @!p0 [sflag:s8], $0x0  }
0x24: {  	s3 =	sadd.s32 $0x88, s3;
	s6 =	simm.s32 @!p1 $0x1082;
	[sflag:s4] =	ssyncset.s32 $0xFFFFF086  }
0x25: {  	[simem:s6], [sflag:s4] =	dma.local [hbm:s3], $0xF7A  }
0x26: {  	[smem:$0x3F94] =	sst s1;
	(tag) =	ssettag s2;
	_ =	strace s9  }
0x27: {  	s1 =	sld [smem:$0x3FA4]  }
0x28: {  	s2 =	sld [smem:$0x3FA5]  }
0x29: {  	s4 =	sld [smem:$0x3FA7]  }
0x2a: {  	p0 =	seq.s32 s5, $0x0;
	s5 =	sld [smem:$0x3FA8]  }
0x2b: {  	s6 =	sld [smem:$0x3FA9]  }
0x2c: {  	s7 =	sld [smem:$0x3FAA]  }
0x2d: {  	s3 =	simm.s32 $0x108;
	s8 =	sld [smem:$0x3FAB]  }
0x2e: {  	s3 =	simm.s32 @!p0 $0x1082;
	s9 =	sld [smem:$0x3FAC]  }
0x2f: {  	lr =	sadd.s32 s0, s3;
	s0 =	sld [smem:$0x3FA3]  }
0x30: {  	s3 =	sld [smem:$0x3FA6]  }
0x31: {  	[smem:$0x3FAF] =	sst s10  }
0x32: {  	s10 =	sld [smem:$0x3FAD];
	_ =	sdelay $0x3  }
0x33: {  	p0 =	seq.s32 s10, $0x1;
	s10 =	sld [smem:$0x3FAF];
	_ =	sdelay $0x3  }
0x34: {  	[smem:$0x3FAF] =	sst s10  }
0x35: {  	s10 =	sld [smem:$0x3FAE];
	_ =	sdelay $0x3  }
0x36: {  	p1 =	seq.s32 s10, $0x1;
	s10 =	sld [smem:$0x3FAF];
	_ =	sdelay $0x3  }
0x37: {  	[smem:$0x3FAF] =	sst s10  }
0x38: {  	s10 =	sld [smem:$0x3FB0]  }
0x39: {  	_ = 	snop;
	(pc) =	sbr.ind lr, $3  }
0x3a: {  	_ = 	snop  }
0x3b: {  	_ = 	snop  }
0x3c: {  	p2 =	seq.s32 s10, $0x1;
	s10 =	sld [smem:$0x3FAF]  }
0x3d: {  	_ =	shalt  }
0x3e: {  	_ =	shalt  }
0x3f: {  	_ =	shalt  }
0x40: {  	_ =	shalt  }
0x41: {  	_ =	shalt  }
0x42: {  	_ =	shalt  }
0x43: {  	_ =	shalt  }
0x44: {  	_ =	shalt  }
0x45: {  	_ =	shalt  }
0x46: {  	_ =	shalt  }
0x47: {  	_ =	shalt  }
0x48: {  	_ =	shalt  }
0x49: {  	_ =	shalt  }
0x4a: {  	_ =	shalt  }
0x4b: {  	_ =	shalt  }
0x4c: {  	_ =	shalt  }
0x4d: {  	_ =	shalt  }
0x4e: {  	_ =	shalt  }
0x4f: {  	_ =	shalt  }
0x50: {  	_ =	shalt  }
0x51: {  	_ =	shalt  }
0x52: {  	_ =	shalt  }
0x53: {  	_ =	shalt  }
0x54: {  	_ =	shalt  }
0x55: {  	_ =	shalt  }
0x56: {  	_ =	shalt  }
0x57: {  	_ =	shalt  }
0x58: {  	_ =	shalt  }
0x59: {  	_ =	shalt  }
0x5a: {  	_ =	shalt  }
0x5b: {  	_ =	shalt  }
0x5c: {  	_ =	shalt  }
0x5d: {  	_ =	shalt  }
0x5e: {  	_ =	shalt  }
0x5f: {  	_ =	shalt  }
0x60: {  	_ =	shalt  }
0x61: {  	_ =	shalt  }
0x62: {  	_ =	shalt  }
0x63: {  	_ =	shalt  }
0x64: {  	_ =	shalt  }
0x65: {  	_ =	shalt  }
0x66: {  	_ =	shalt  }
0x67: {  	_ =	shalt  }
0x68: {  	_ =	shalt  }
0x69: {  	_ =	shalt  }
0x6a: {  	_ =	shalt  }
0x6b: {  	_ =	shalt  }
0x6c: {  	_ =	shalt  }
0x6d: {  	_ =	shalt  }
0x6e: {  	_ =	shalt  }
0x6f: {  	_ =	shalt  }
0x70: {  	_ =	shalt  }
0x71: {  	_ =	shalt  }
0x72: {  	_ =	shalt  }
0x73: {  	_ =	shalt  }
0x74: {  	_ =	shalt  }
0x75: {  	_ =	shalt  }
0x76: {  	_ =	shalt  }
0x77: {  	_ =	shalt  }
0x78: {  	_ =	shalt  }
0x79: {  	_ =	shalt  }
0x7a: {  	_ =	shalt  }
0x7b: {  	_ =	shalt  }
0x7c: {  	_ =	shalt  }
0x7d: {  	_ =	shalt  }
0x7e: {  	_ =	shalt  }
0x7f: {  	_ =	shalt  }
0x80: {  	_ =	shalt  }
0x81: {  	_ =	shalt  }
0x82: {  	_ =	shalt  }
0x83: {  	_ =	shalt  }
0x84: {  	_ =	shalt  }
0x85: {  	_ =	shalt  }
0x86: {  	_ =	shalt  }
0x87: {  	_ =	shalt  }
.Lfunc_end0:
.L_simem_size_0:
called_computation_lowered:
.L_overlay_start_0:
0x88: {  	s2 =	sld [smem:$0x3FD9]  }
0x89: {  	s3 =	sld [smem:$0x3FFE];
	_ =	sdelay $0x1  }
0x8a: {  	s1 =	srdreg.scid  }
0x8b: {  	s0 =	sand.u32 $0x1, s1  }
0x8c: {  	s16 =	sshll.u32 s0, $0xA;
	s2 =	sadd.s32 s3, s2  }
0x8d: {  	s2 =	sadd.s32 s2, s16  }
0x8e: {  	[smem:$0x3FBB] =	sst s2  }
0x8f: {  	_ = 	snop  }
0x90: {  	(tm) =	ssettm $0x1  }
0x91: {  	s17 =	sld [smem:$0x3FFB];
	_ =	sdelay $0x3  }
0x92: {  	_ =	strace s17  }
0x93: {  	s2 =	sld [smem:$0x3FFC];
	_ =	sdelay $0x3  }
0x94: {  	_ =	strace s2  }
0x95: {  	s2 =	sld [smem:$0x3FFD];
	_ =	sdelay $0x3  }
0x96: {  	_ =	strace s2  }
0x97: {  	_ =	strace $0x8FFFFFFF  }
0x98: {  	s18 =	sld [smem:$0x3FDB];
	_ =	sdelay $0x1  }
0x99: {  	s19 =	simm.s32 $_scs_section_size  }
0x9a: {  	s4 =	simm.s32 $_size__tile_overlayer_lowered;
	s5 =	simm.s32 $_tile_overlayer_lowered  }
0x9b: {  	s22 =	simm.s32 $0x1BFF;
	s21 =	sshll.u32 s5, $0x1;
	s2 =	sadd.s32 s19, s18  }
0x9c: {  	s6 =	simm.s32 $0x0;
	s20 =	sshll.u32 s4, $0x1;
	s4 =	sadd.s32 s21, s2  }
0x9d: {  	[timem:s6], [sflag:s22] =	dma.local [hbm:s4], s20  }
0x9e: {  	_ =	swait.ge [sflag:s22], s20  }
0x9f: {  	s3 =	ssub.s32 $0x0, s20;
	[sflag:s22] =	ssyncset.done $0x0  }
0xa0: {  	[sflag:s22] =	ssyncadd.s32 s3;
	_ =	sdelay $0x1  }
0xa1: {  	s23 =	simm.s32 $0x1B8B  }
0xa2: {  	_ =	swait.ge [sflag:s23], $0x1  }
0xa3: {  	[sflag:s23] =	ssyncset.done $0x0  }
0xa4: {  	s25 =	simm.s32 $0x1B8E;
	s24 =	sld [smem:$0x3FFE];
	[sflag:s23] =	ssyncadd.s32 $0xFFFFFFFF  }
0xa5: {  	s26 =	simm.s32 $execute0_lowered;
	[smem:$0x3FD2] =	sst s25  }
0xa6: {  	s4 =	sshll.u32 s26, $0x1;
	_ =	strace $0x80000046;
	[dreg:$0x1] =	wrdreg $0xFFFFFFFF  }
0xa7: {  	s28 =	simm.s32 $_size_execute0_lowered;
	s2 =	sadd.s32 s2, s4;
	[dreg:$0x0] =	wrdreg $0x0  }
0xa8: {  	s4 =	sshll.u32 s28, $0x1;
	[dreg:$0x2] =	wrdreg s2  }
0xa9: {  	[dreg:$0x3] =	wrdreg s4  }
0xaa: {  	[dreg:$0x4] =	wrdreg $0xC0  }
0xab: {  	_ =	task [dreg:s6], $0x5FFFF  }
0xac: {  	[dreg:$0x1] =	wrdreg $0xFFFFFFFF  }
0xad: {  	[dreg:$0x0] =	wrdreg $0x60  }
0xae: {  	[dreg:$0x2] =	wrdreg s24  }
0xaf: {  	[dreg:$0x3] =	wrdreg $0x9  }
0xb0: {  	_ =	task.clear_ibuf [dreg:s6], $0x4FFFF;
	_ =	strace $0x90000046  }
0xb1: {  	s29 =	simm.s32 $0x9;
	_ =	strace $0x80000048  }
0xb2: {  	_ =	swait.ge [sflag:s29], $0x1  }
0xb3: {  	[sflag:s29] =	ssyncadd.s32 $0xFFFFFFFF  }
0xb4: {  	_ =	strace $0x90000048  }
0xb5: {  	_ =	sfence  }
0xb6: {  	s30 =	sld [smem:$0x0];
	_ =	sdelay $0x2  }
0xb7: {  	s31 =	sshll.u32 s1, $0xD;
	s1 =	sshrl.u32 s1, $0x2  }
0xb8: {  	s3 =	sand.u32 $0x4000, s31;
	s1 =	sadd.s32 s1, s30  }
0xb9: {  	s0 =	sor.u32 s3, s0;
	s1 =	sshll.u32 s1, $0x11  }
0xba: {  	s0 =	sor.u32 s1, s0  }
0xbb: {  	s0 =	sadd.s32 $0x8F2B, s0  }
0xbc: {  	[sflag:s0] =	ssyncadd.remote.s32 $0x1  }
0xbd: {  	_ =	sfence.sel $0xFFFF  }
0xbe: {  	[dreg:$0x0] =	wrdreg $0xFFFFFFFF;
	(pc) =	sbr.abs _section_cstart, $3  }
0xbf: {  	[dreg:$0x1] =	wrdreg $0xFFFFFFFF  }
0xc0: {  	_ =	task.clear_ibuf [dreg:s6], $0x2FFFF;
	_ =	strace $0x9FFFFFFF  }
0xc1: {  	(tm) =	ssettm $0x7FFFFFFF  }
tec
execute0_lowered:
.L_overlay_start_1:
0x0: {  	(tag) =	ssettag $0x1  }
0x1: {  	s6 =	rddreg [dreg:$0x0]  }
0x2: {  	s0 =	rddreg [dreg:$0x1];
	s1 =	simm.s32 $0x0  }
0x3: {  	s5 =	srdreg.scid;
	s2 =	stileid.u32;
	s13 =	simm.s32 $0x2  }
0x4: {  	s14 =	simm.s32 $0x10;
	s15 =	simm.s32 $0x1A0;
	s16 =	simm.s32 $0x0  }
0x5: {  	[smem:$0x7FF] =	sst s1;
	s3 =	sadd.s32 $0x27AE400, s6;
	s9 =	smul.u32 $0x1A, s2  }
0x6: {  	s4 =	sadd.s32 $0x2000, s6;
	s8 =	sand.u32 $0x1, s5;
	s12 =	smul.u32 $0x6800, s2  }
0x7: {  	s7 =	sadd.s32 $0x51800, s6;
	s5 =	sadd.s32 $0x5E800, s6;
	s10 =	smul.u32 $0xD, s8  }
0x8: {  	s6 =	sadd.s32 $0x12E800, s6;
	s31 =	ssub.s32 $0x2, s8;
	s8 =	smul.u32 $0x3400, s8  }
0x9: {  	_ =	strace $0x80000047;
	[dreg:$0x3] =	wrdreg s7;
	s11 =	sshrl.u32 s31, $0x1  }
0xa: {  	s7 =	ssub.s32 s31, s11;
	s9 =	sadd.s32 s10, s9;
	s8 =	sadd.s32 s8, s12  }
0xb: {  	s10 =	simm.s32 $0x400;
	s11 =	simm.s32 $0x4400;
	s12 =	simm.s32 $0x1  }
0xc: {  	s7 =	smax.u32 s7, $0x1;
	[dreg:$0x2] =	wrdreg s9;
	s9 =	simm.s32 $0x3  }
.LBB2_1:
0xd: {  	s17 =	rddreg [dreg:$0x2]  }
0xe: {  	s17 =	sadd.s32 $0x0, s17  }
0xf: {  	s19 =	sshll.u32 s17, $0x7  }
0x10: {  	s18 =	rddreg [dreg:$0x3];
	s20 =	sand.u32 $0x3C00, s8;
	s19 =	sand.u32 $0x1FFFF800, s19  }
0x11: {  	s21 =	sshrl.u32 s20, $0x3;
	s18 =	sadd.s32 s18, s19  }
0x12: {  	s22 =	sshrl.u32 s17, $0x4;
	s18 =	sadd.s32 s21, s18  }
0x13: {  	[tilespmem:s1], [sflag:$0x3] =	stream.linear.gather [hbm4b:s18+s1], $0x400, $0x38;
	[tilespmem:$0x4800] =	vst v63  }
0x14: {  	s28 =	smul.u32 $0x30D40, s22;
	_ =	swait.ge [sflag:s9], $0x400  }
0x15: {  	[sflag:s9] =	ssyncset.done $0x0  }
0x16: {  	s22 =	smul.u32 $0x30E0, s22;
	s18 =	sadd.s32 s3, s28;
	[sflag:s9] =	ssyncadd.s32 $0xFFFFFC00  }
0x17: {  	[tilespmem:s10], [sflag:$0x1] =	stream.indirect.gather [hbm4b:s18+s10], $0x10, s1, s10, $0xb8;
	[tilespmem:$0x4800] =	vst v63  }
0x18: {  	s29 =	sadd.s32 s4, s22  }
0x19: {  	[tilespmem:s11], [sflag:$0x2] =	stream.indirect.gather [hbm4b:s29+s10], $0x1, s1, s10, $0xb8;
	[tilespmem:$0x4800] =	vst v63  }
0x1a: {  	_ =	swait.ge [sflag:s12], $0x4000  }
0x1b: {  	s30 =	smul.u32 $0x1A0, s20;
	[sflag:s12] =	ssyncset.done $0x0  }
0x1c: {  	s17 =	sand.u32 $0x3F0, s17;
	[sflag:s12] =	ssyncadd.s32 $0xFFFFC000  }
0x1d: {  	s17 =	sor.u32 s17, s30;
	_ =	swait.ge [sflag:s13], $0x400  }
0x1e: {  	s17 =	sshrl.u32 s17, $0x3;
	[sflag:s13] =	ssyncset.done $0x0  }
0x1f: {  	s17 =	sadd.s32 s5, s17;
	[sflag:s13] =	ssyncadd.s32 $0xFFFFFC00  }
0x20: {  	[hbm4b:s17+s14] =	stream.strided.scatter [tilespmem:s10], [sflag:$0x3], $0x4000, s15, s14, $0x38;
	[tilespmem:$0x4800] =	vst v63  }
0x21: {  	_ =	swait.ge [sflag:s9], $0x4000  }
0x22: {  	s31 =	sadd.s32 s6, s19;
	[sflag:s9] =	ssyncset.done $0x0  }
0x23: {  	s17 =	sadd.s32 s21, s31;
	[sflag:s9] =	ssyncadd.s32 $0xFFFFC000  }
0x24: {  	[hbm4b:s17+s1] =	stream.linear.scatter [tilespmem:s11], [sflag:$0x3], $0x400, $0x38;
	[tilespmem:$0x4800] =	vst v63  }
0x25: {  	s19 =	simm.s32 $0x1;
	s18 =	simm.s32 $0x2;
	_ =	swait.ge [sflag:s9], $0x400  }
0x26: {  	s17 =	smov.u32 s8;
	s20 =	rddreg [dreg:$0x2];
	[sflag:s9] =	ssyncset.done $0x0  }
.LBB2_2:
0x27: {  	s19 =	sadd.s32 s19, s20  }
0x28: {  	s17 =	sadd.s32 $0x400, s17;
	s25 =	sshll.u32 s19, $0x7  }
0x29: {  	s30 =	rddreg [dreg:$0x3];
	s21 =	sand.u32 $0x3C00, s17;
	s25 =	sand.u32 $0x1FFFF800, s25  }
0x2a: {  	s20 =	sshrl.u32 s21, $0x3;
	s31 =	sadd.s32 s30, s25  }
0x2b: {  	[sflag:s9] =	ssyncadd.s32 $0xFFFFFC00;
	s24 =	sshrl.u32 s19, $0x4;
	s29 =	sadd.s32 s20, s31  }
0x2c: {  	[tilespmem:s1], [sflag:$0x3] =	stream.linear.gather [hbm4b:s29+s1], $0x400, $0x38;
	[tilespmem:$0x4800] =	vst v63  }
0x2d: {  	s26 =	smul.u32 $0x30D40, s24;
	_ =	swait.ge [sflag:s9], $0x400  }
0x2e: {  	[sflag:s9] =	ssyncset.done $0x0  }
0x2f: {  	s28 =	smul.u32 $0x30E0, s24;
	s30 =	sadd.s32 s3, s26;
	[sflag:s9] =	ssyncadd.s32 $0xFFFFFC00  }
0x30: {  	[tilespmem:s10], [sflag:$0x1] =	stream.indirect.gather [hbm4b:s30+s10], $0x10, s1, s10, $0xb8;
	[tilespmem:$0x4800] =	vst v63  }
0x31: {  	s23 =	smul.u32 $0x1A0, s21;
	s21 =	sadd.s32 s4, s28  }
0x32: {  	[tilespmem:s11], [sflag:$0x2] =	stream.indirect.gather [hbm4b:s21+s10], $0x1, s1, s10, $0xb8;
	[tilespmem:$0x4800] =	vst v63  }
0x33: {  	_ =	swait.ge [sflag:s12], $0x4000  }
0x34: {  	[sflag:s12] =	ssyncset.done $0x0  }
0x35: {  	s19 =	sand.u32 $0x3F0, s19;
	[sflag:s12] =	ssyncadd.s32 $0xFFFFC000  }
0x36: {  	s23 =	sor.u32 s19, s23;
	_ =	swait.ge [sflag:s13], $0x400  }
0x37: {  	s31 =	sshrl.u32 s23, $0x3;
	[sflag:s13] =	ssyncset.done $0x0  }
0x38: {  	s21 =	sadd.s32 s5, s31;
	[sflag:s13] =	ssyncadd.s32 $0xFFFFFC00  }
0x39: {  	[hbm4b:s21+s14] =	stream.strided.scatter [tilespmem:s10], [sflag:$0x3], $0x4000, s15, s14, $0x38;
	[tilespmem:$0x4800] =	vst v63  }
0x3a: {  	p0 =	sne.s32 s18, $0xC;
	_ =	swait.ge [sflag:s9], $0x4000  }
.Ltmp0:
0x3b: {  	s25 =	sadd.s32 s6, s25;
	[sflag:s9] =	ssyncset.done $0x0;
	(pc) =	sbr.rel @p0 .LBB2_2-.Ltmp0, $4  }
0x3c: {  	s20 =	sadd.s32 s20, s25;
	[sflag:s9] =	ssyncadd.s32 $0xFFFFC000  }
0x3d: {  	[hbm4b:s20+s1] =	stream.linear.scatter [tilespmem:s11], [sflag:$0x3], $0x400, $0x38;
	[tilespmem:$0x4800] =	vst v63  }
0x3e: {  	s22 =	smov.u32 s18;
	s18 =	sadd.s32 $0x1, s18;
	_ =	swait.ge [sflag:s9], $0x400  }
0x3f: {  	s19 =	smov.u32 s22;
	s20 =	rddreg [dreg:$0x2];
	[sflag:s9] =	ssyncset.done $0x0  }
0x40: {  	s18 =	sadd.s32 s19, s20  }
0x41: {  	s17 =	sadd.s32 $0x400, s17;
	s20 =	sshll.u32 s18, $0x7  }
0x42: {  	s28 =	rddreg [dreg:$0x3];
	s17 =	sand.u32 $0x3C00, s17;
	s20 =	sand.u32 $0x1FFFF800, s20  }
0x43: {  	s21 =	sshrl.u32 s17, $0x3;
	s19 =	sadd.s32 s28, s20  }
0x44: {  	[sflag:s9] =	ssyncadd.s32 $0xFFFFFC00;
	s22 =	sshrl.u32 s18, $0x4;
	s19 =	sadd.s32 s21, s19  }
0x45: {  	[tilespmem:s1], [sflag:$0x3] =	stream.linear.gather [hbm4b:s19+s1], $0x400, $0x38;
	[tilespmem:$0x4800] =	vst v63  }
0x46: {  	s29 =	smul.u32 $0x30D40, s22;
	_ =	swait.ge [sflag:s9], $0x400  }
0x47: {  	[sflag:s9] =	ssyncset.done $0x0  }
0x48: {  	s22 =	smul.u32 $0x30E0, s22;
	s19 =	sadd.s32 s3, s29;
	[sflag:s9] =	ssyncadd.s32 $0xFFFFFC00  }
0x49: {  	[tilespmem:s10], [sflag:$0x1] =	stream.indirect.gather [hbm4b:s19+s10], $0x10, s1, s10, $0xb8;
	[tilespmem:$0x4800] =	vst v63  }
0x4a: {  	s30 =	sadd.s32 s4, s22  }
0x4b: {  	[tilespmem:s11], [sflag:$0x2] =	stream.indirect.gather [hbm4b:s30+s10], $0x1, s1, s10, $0xb8;
	[tilespmem:$0x4800] =	vst v63  }
0x4c: {  	_ =	swait.ge [sflag:s12], $0x4000  }
0x4d: {  	s17 =	smul.u32 $0x1A0, s17;
	[sflag:s12] =	ssyncset.done $0x0  }
0x4e: {  	s18 =	sand.u32 $0x3F0, s18;
	[sflag:s12] =	ssyncadd.s32 $0xFFFFC000  }
0x4f: {  	s17 =	sor.u32 s18, s17;
	_ =	swait.ge [sflag:s13], $0x400  }
0x50: {  	s17 =	sshrl.u32 s17, $0x3;
	[sflag:s13] =	ssyncset.done $0x0  }
0x51: {  	s17 =	sadd.s32 s5, s17;
	[sflag:s13] =	ssyncadd.s32 $0xFFFFFC00  }
0x52: {  	[hbm4b:s17+s14] =	stream.strided.scatter [tilespmem:s10], [sflag:$0x3], $0x4000, s15, s14, $0x38;
	[tilespmem:$0x4800] =	vst v63  }
0x53: {  	s16 =	sadd.s32 $0x1, s16;
	_ =	swait.ge [sflag:s9], $0x4000  }
0x54: {  	p0 =	sne.s32 s16, s7;
	s31 =	sadd.s32 s6, s20;
	[sflag:s9] =	ssyncset.done $0x0  }
.Ltmp1:
0x55: {  	s17 =	sadd.s32 s21, s31;
	[sflag:s9] =	ssyncadd.s32 $0xFFFFC000;
	(pc) =	sbr.rel @p0 .LBB2_1-.Ltmp1, $4  }
0x56: {  	[hbm4b:s17+s1] =	stream.linear.scatter [tilespmem:s11], [sflag:$0x3], $0x400, $0x38;
	[tilespmem:$0x4800] =	vst v63  }
0x57: {  	_ =	swait.ge [sflag:s9], $0x400  }
0x58: {  	[sflag:s9] =	ssyncset.done $0x0  }
0x59: {  	[sflag:s9] =	ssyncadd.s32 $0xFFFFFC00  }
0x5a: {  	_ =	sfence.sel $0x180000  }
0x5b: {  	[bflag:$0x0] =	sbarrier.arrive $0xFFFF  }
0x5c: {  	p0 =	sne.s32 s2, $0x0;
	_ =	strace $0x90000047  }
0x5d: {  	s0 =	sadd.s32 @!p0 $0x100000, s0;
	[bflag:$0x2] =	sbarrier.arrive $0xFFFF  }
0x5e: {  	[sflag:s0] =	ssyncadd.tile.s32 @!p0 $0x1;
	_ =	shalt  }
.Lfunc_end2:
_tile_overlayer_lowered:
.L_overlay_start_2:
0x5f: {  	(tag) =	ssettag $0x2  }
0x60: {  	s0 =	rddreg [dreg:$0x0];
	s2 =	stileid.u32  }
0x61: {  	s1 =	rddreg [dreg:$0x1];
	p0 =	sne.s32 s2, $0x0  }
0x62: {  	s3 =	rddreg [dreg:$0x2];
	[bflag:$0x3] =	sbarrier.arrive $0xFFFF;
	s2 =	simm.s32 @!p0 $0x1C03  }
0x63: {  	[timem:s3], [sflag:s2] =	dma.local @!p0 [hbm:s0], s1  }
0x64: {  	s0 =	simm.s32 @!p0 $0x3  }
0x65: {  	_ =	swait.ge @!p0 [sflag:s0], s1  }
0x66: {  	s1 =	ssub.s32 @!p0 $0x0, s1;
	[sflag:s0] =	ssyncset.done @!p0 $0x0  }
0x67: {  	[sflag:s0] =	ssyncadd.s32 @!p0 s1  }
0x68: {  	[bflag:$0x3] =	sbarrier.arrive $0xFFFF  }
0x69: {  	_ =	shalt  }

</sc_bundles>
